<compile_context>
chip_gen: v7x
topology: tpu7x:2x2x1
jax: 0.10.2.dev20260603
libtpu: 0.0.44.dev20260713+nightly
codegen_flags: <defaults>
</compile_context>

<pallas_src>
import functools

import jax
import jax.numpy as jnp
from jax import lax
from jax.experimental import pallas as pl
from jax.experimental.pallas import tpu as pltpu
from jax.experimental.pallas import tpu_sc as plsc

MAXLEN = 4096
DIM = 2048
NROWS = 8192

RBLK = 512
NC, NS = 2, 16
NW = NC * NS
WROWS = MAXLEN // NW
CCHUNK = 32


def _reduce_body(x_ref, acc_ref):
    i = pl.program_id(0)

    @pl.when(i == 0)
    def _():
        acc_ref[...] = jnp.zeros_like(acc_ref)

    acc_ref[...] += jnp.sum(x_ref[...], axis=0, keepdims=True)

    @pl.when(i == pl.num_programs(0) - 1)
    def _():
        acc_ref[...] *= (1.0 / NROWS)


def _sc_copy_body(buf_hbm, out_hbm, stage0, stage1, sem0, sem1):
    wid = lax.axis_index("s") * NC + lax.axis_index("c")
    base = wid * WROWS
    stages = (stage0, stage1)
    sems = (sem0, sem1)
    nchunks = WROWS // CCHUNK

    pltpu.make_async_copy(
        buf_hbm.at[pl.ds(base, CCHUNK)], stages[0], sems[0]).start()
    for k in range(nchunks):
        cur, nxt = k % 2, (k + 1) % 2
        if k + 1 < nchunks:
            pltpu.make_async_copy(
                buf_hbm.at[pl.ds(base + (k + 1) * CCHUNK, CCHUNK)],
                stages[nxt], sems[nxt]).start()
        pltpu.make_async_copy(
            buf_hbm.at[pl.ds(base + k * CCHUNK, CCHUNK)],
            stages[cur], sems[cur]).wait()
        pltpu.sync_copy(stages[cur], out_hbm.at[pl.ds(base + k * CCHUNK, CCHUNK)])


def _scatter_body(pos_ref, copied_hbm, mean_ref, out_hbm, sem):
    row = pltpu.make_async_copy(
        mean_ref, out_hbm.at[pl.ds(pos_ref[0], 1), :], sem)
    row.start()
    row.wait()


def kernel(x, buffer, position, length):
    del length
    pos = jnp.asarray(position, jnp.int32).reshape(1)

    mean = pl.pallas_call(
        _reduce_body,
        grid=(NROWS // RBLK,),
        in_specs=[pl.BlockSpec((RBLK, DIM), lambda i: (i, 0))],
        out_specs=pl.BlockSpec((1, DIM), lambda i: (0, 0)),
        out_shape=jax.ShapeDtypeStruct((1, DIM), jnp.float32),
    )(x)

    sc_copy = pl.kernel(
        _sc_copy_body,
        out_type=jax.ShapeDtypeStruct((MAXLEN, DIM), jnp.float32),
        mesh=plsc.VectorSubcoreMesh(
            core_axis_name="c", subcore_axis_name="s",
            num_cores=NC, num_subcores=NS),
        scratch_types=[
            pltpu.VMEM((CCHUNK, DIM), jnp.float32),
            pltpu.VMEM((CCHUNK, DIM), jnp.float32),
            pltpu.SemaphoreType.DMA,
            pltpu.SemaphoreType.DMA,
        ],
    )
    copied = sc_copy(buffer)

    new_buffer = pl.pallas_call(
        _scatter_body,
        grid_spec=pltpu.PrefetchScalarGridSpec(
            num_scalar_prefetch=1,
            grid=(1,),
            in_specs=[
                pl.BlockSpec(memory_space=pltpu.MemorySpace.HBM),
                pl.BlockSpec((1, DIM), lambda i, p: (0, 0)),
            ],
            out_specs=pl.BlockSpec(memory_space=pltpu.MemorySpace.HBM),
            scratch_shapes=[pltpu.SemaphoreType.DMA],
        ),
        out_shape=jax.ShapeDtypeStruct((MAXLEN, DIM), jnp.float32),
        input_output_aliases={1: 0},
    )(pos, copied, mean)

    return new_buffer

# --- scband reference (transcript-rebuilt; emitter-appended) ---
"""Pipeline reference for scband-context-buffer-80882824118928 (READ-ONLY COPY).

The authoritative reference and input builder live on the scoring server;
editing this copy changes nothing except your own understanding.
"""

import jax, jax.numpy as jnp
import numpy as np

MAX_LENGTH = 4096
DIM = 2048


def setup_inputs(seed: int = 0) -> dict:
    key = jax.random.key(seed)
    x = jax.random.normal(key, (8192, DIM), dtype=jnp.float32)
    # registered buffers from __init__
    buffer = jnp.zeros((MAX_LENGTH, DIM), dtype=jnp.float32)
    position = 37  # current write cursor (int scalar buffer)
    length = 37    # current fill level (int scalar buffer)
    return {"x": x, "buffer": buffer, "position": position, "length": length}


def reference(x, buffer, position, length):
    # Faithful translation of ContextBuffer.push (FIFO write).
    if x.ndim > 1:
        x = x.mean(axis=tuple(range(x.ndim - 1)))
    # scatter-overwrite one row of the ring buffer
    new_buffer = buffer.at[position].set(x)
    # state updates (ints, computed for faithfulness)
    new_position = (position + 1) % MAX_LENGTH
    new_length = jnp.minimum(length + 1, MAX_LENGTH)
    del new_position, new_length
    return new_buffer

if __name__ == "__main__":
    import jax
    _d = setup_inputs()
    print(jax.jit(kernel)(*tuple(_d.values())))

</pallas_src>

<mosaic_0001>
#map = affine_map<(d0, d1) -> (0, 0)>
module attributes {stable_mosaic.version = 14 : i64} {
  func.func @_sc_copy_body(%arg0: i32, %arg1: i32, %arg2: memref<4096x2048xf32, #tpu.memory_space<hbm>>, %arg3: memref<4096x2048xf32, #tpu.memory_space<hbm>>, %arg4: memref<32x2048xf32, #tpu.memory_space<vmem>>, %arg5: memref<32x2048xf32, #tpu.memory_space<vmem>>, %arg6: memref<!tpu.dma_semaphore, #tpu.memory_space<semaphore_mem>>, %arg7: memref<!tpu.dma_semaphore, #tpu.memory_space<semaphore_mem>>) attributes {dimension_semantics = [#tpu.dimension_semantics<core_parallel>, #tpu.dimension_semantics<subcore_parallel>], iteration_bounds = array<i64: 2, 16>, scalar_prefetch = 0 : i64, scratch_operands = 4 : i64, tpu.core_type = #tpu.core_type<sc_vector_subcore>, window_params = [{transform_indices = #map}, {transform_indices = #map}]} {
    %mul3A = arith.constant 2 : i32
    %mul3A_0 = arith.muli %arg1, %mul3A : i32
    %add3A = arith.addi %mul3A_0, %arg0 : i32
    %mul3A_1 = arith.constant 128 : i32
    %mul3A_2 = arith.muli %add3A, %mul3A_1 : i32
    %dma_start3A = arith.constant 0 : i32
    %dma_start3A_3 = tpu.memref_slice %arg2[%mul3A_2, %dma_start3A] : memref<4096x2048xf32, #tpu.memory_space<hbm>> -> memref<32x2048xf32, #tpu.memory_space<hbm>>
    %dma_start3A_4 = arith.constant 0 : i32
    %dma_start3A_5 = tpu.memref_slice %arg2[%mul3A_2, %dma_start3A_4] : memref<4096x2048xf32, #tpu.memory_space<hbm>> -> memref<32x2048xf32, #tpu.memory_space<hbm>>
    tpu.enqueue_dma source(%dma_start3A_5 : memref<32x2048xf32, #tpu.memory_space<hbm>>) target(%arg4 : memref<32x2048xf32, #tpu.memory_space<vmem>>) target_semaphore(%arg6 : memref<!tpu.dma_semaphore, #tpu.memory_space<semaphore_mem>>)
    %add3A_6 = arith.constant 32 : i32
    %add3A_7 = arith.addi %mul3A_2, %add3A_6 : i32
    %dma_start3A_8 = arith.constant 0 : i32
    %dma_start3A_9 = tpu.memref_slice %arg2[%add3A_7, %dma_start3A_8] : memref<4096x2048xf32, #tpu.memory_space<hbm>> -> memref<32x2048xf32, #tpu.memory_space<hbm>>
    %dma_start3A_10 = arith.constant 0 : i32
    %dma_start3A_11 = tpu.memref_slice %arg2[%add3A_7, %dma_start3A_10] : memref<4096x2048xf32, #tpu.memory_space<hbm>> -> memref<32x2048xf32, #tpu.memory_space<hbm>>
    tpu.enqueue_dma source(%dma_start3A_11 : memref<32x2048xf32, #tpu.memory_space<hbm>>) target(%arg5 : memref<32x2048xf32, #tpu.memory_space<vmem>>) target_semaphore(%arg7 : memref<!tpu.dma_semaphore, #tpu.memory_space<semaphore_mem>>)
    %add3A_12 = arith.constant 0 : i32
    %add3A_13 = arith.addi %mul3A_2, %add3A_12 : i32
    %dma_wait3A = arith.constant 0 : i32
    %dma_wait3A_14 = tpu.memref_slice %arg2[%add3A_13, %dma_wait3A] : memref<4096x2048xf32, #tpu.memory_space<hbm>> -> memref<32x2048xf32, #tpu.memory_space<hbm>>
    %dma_wait3A_15 = arith.constant 0 : i32
    %dma_wait3A_16 = tpu.memref_slice %arg2[%add3A_13, %dma_wait3A_15] : memref<4096x2048xf32, #tpu.memory_space<hbm>> -> memref<32x2048xf32, #tpu.memory_space<hbm>>
    tpu.wait_dma2 semaphore(%arg6 : memref<!tpu.dma_semaphore, #tpu.memory_space<semaphore_mem>>) src(%dma_wait3A_16 : memref<32x2048xf32, #tpu.memory_space<hbm>>) dst(%arg4 : memref<32x2048xf32, #tpu.memory_space<vmem>>)
    %add3A_17 = arith.constant 0 : i32
    %add3A_18 = arith.addi %mul3A_2, %add3A_17 : i32
    "tpu.region"() ({
      %run_scoped3A = tpu.sem_alloc : memref<!tpu.dma_semaphore, #tpu.memory_space<semaphore_mem>>
      %dma_start3A_55 = arith.constant 0 : i32
      %dma_start3A_56 = tpu.memref_slice %arg3[%add3A_18, %dma_start3A_55] : memref<4096x2048xf32, #tpu.memory_space<hbm>> -> memref<32x2048xf32, #tpu.memory_space<hbm>>
      %dma_start3A_57 = arith.constant 0 : i32
      %dma_start3A_58 = tpu.memref_slice %arg3[%add3A_18, %dma_start3A_57] : memref<4096x2048xf32, #tpu.memory_space<hbm>> -> memref<32x2048xf32, #tpu.memory_space<hbm>>
      tpu.enqueue_dma source(%arg4 : memref<32x2048xf32, #tpu.memory_space<vmem>>) target(%dma_start3A_58 : memref<32x2048xf32, #tpu.memory_space<hbm>>) target_semaphore(%run_scoped3A : memref<!tpu.dma_semaphore, #tpu.memory_space<semaphore_mem>>)
      %dma_wait3A_59 = arith.constant 0 : i32
      %dma_wait3A_60 = tpu.memref_slice %arg3[%add3A_18, %dma_wait3A_59] : memref<4096x2048xf32, #tpu.memory_space<hbm>> -> memref<32x2048xf32, #tpu.memory_space<hbm>>
      %dma_wait3A_61 = arith.constant 0 : i32
      %dma_wait3A_62 = tpu.memref_slice %arg3[%add3A_18, %dma_wait3A_61] : memref<4096x2048xf32, #tpu.memory_space<hbm>> -> memref<32x2048xf32, #tpu.memory_space<hbm>>
      tpu.wait_dma2 semaphore(%run_scoped3A : memref<!tpu.dma_semaphore, #tpu.memory_space<semaphore_mem>>) src(%arg4 : memref<32x2048xf32, #tpu.memory_space<vmem>>) dst(%dma_wait3A_62 : memref<32x2048xf32, #tpu.memory_space<hbm>>)
      tpu.yield
    }) : () -> ()
    %add3A_19 = arith.constant 64 : i32
    %add3A_20 = arith.addi %mul3A_2, %add3A_19 : i32
    %dma_start3A_21 = arith.constant 0 : i32
    %dma_start3A_22 = tpu.memref_slice %arg2[%add3A_20, %dma_start3A_21] : memref<4096x2048xf32, #tpu.memory_space<hbm>> -> memref<32x2048xf32, #tpu.memory_space<hbm>>
    %dma_start3A_23 = arith.constant 0 : i32
    %dma_start3A_24 = tpu.memref_slice %arg2[%add3A_20, %dma_start3A_23] : memref<4096x2048xf32, #tpu.memory_space<hbm>> -> memref<32x2048xf32, #tpu.memory_space<hbm>>
    tpu.enqueue_dma source(%dma_start3A_24 : memref<32x2048xf32, #tpu.memory_space<hbm>>) target(%arg4 : memref<32x2048xf32, #tpu.memory_space<vmem>>) target_semaphore(%arg6 : memref<!tpu.dma_semaphore, #tpu.memory_space<semaphore_mem>>)
    %add3A_25 = arith.constant 32 : i32
    %add3A_26 = arith.addi %mul3A_2, %add3A_25 : i32
    %dma_wait3A_27 = arith.constant 0 : i32
    %dma_wait3A_28 = tpu.memref_slice %arg2[%add3A_26, %dma_wait3A_27] : memref<4096x2048xf32, #tpu.memory_space<hbm>> -> memref<32x2048xf32, #tpu.memory_space<hbm>>
    %dma_wait3A_29 = arith.constant 0 : i32
    %dma_wait3A_30 = tpu.memref_slice %arg2[%add3A_26, %dma_wait3A_29] : memref<4096x2048xf32, #tpu.memory_space<hbm>> -> memref<32x2048xf32, #tpu.memory_space<hbm>>
    tpu.wait_dma2 semaphore(%arg7 : memref<!tpu.dma_semaphore, #tpu.memory_space<semaphore_mem>>) src(%dma_wait3A_30 : memref<32x2048xf32, #tpu.memory_space<hbm>>) dst(%arg5 : memref<32x2048xf32, #tpu.memory_space<vmem>>)
    %add3A_31 = arith.constant 32 : i32
    %add3A_32 = arith.addi %mul3A_2, %add3A_31 : i32
    "tpu.region"() ({
      %run_scoped3A = tpu.sem_alloc : memref<!tpu.dma_semaphore, #tpu.memory_space<semaphore_mem>>
      %dma_start3A_55 = arith.constant 0 : i32
      %dma_start3A_56 = tpu.memref_slice %arg3[%add3A_32, %dma_start3A_55] : memref<4096x2048xf32, #tpu.memory_space<hbm>> -> memref<32x2048xf32, #tpu.memory_space<hbm>>
      %dma_start3A_57 = arith.constant 0 : i32
      %dma_start3A_58 = tpu.memref_slice %arg3[%add3A_32, %dma_start3A_57] : memref<4096x2048xf32, #tpu.memory_space<hbm>> -> memref<32x2048xf32, #tpu.memory_space<hbm>>
      tpu.enqueue_dma source(%arg5 : memref<32x2048xf32, #tpu.memory_space<vmem>>) target(%dma_start3A_58 : memref<32x2048xf32, #tpu.memory_space<hbm>>) target_semaphore(%run_scoped3A : memref<!tpu.dma_semaphore, #tpu.memory_space<semaphore_mem>>)
      %dma_wait3A_59 = arith.constant 0 : i32
      %dma_wait3A_60 = tpu.memref_slice %arg3[%add3A_32, %dma_wait3A_59] : memref<4096x2048xf32, #tpu.memory_space<hbm>> -> memref<32x2048xf32, #tpu.memory_space<hbm>>
      %dma_wait3A_61 = arith.constant 0 : i32
      %dma_wait3A_62 = tpu.memref_slice %arg3[%add3A_32, %dma_wait3A_61] : memref<4096x2048xf32, #tpu.memory_space<hbm>> -> memref<32x2048xf32, #tpu.memory_space<hbm>>
      tpu.wait_dma2 semaphore(%run_scoped3A : memref<!tpu.dma_semaphore, #tpu.memory_space<semaphore_mem>>) src(%arg5 : memref<32x2048xf32, #tpu.memory_space<vmem>>) dst(%dma_wait3A_62 : memref<32x2048xf32, #tpu.memory_space<hbm>>)
      tpu.yield
    }) : () -> ()
    %add3A_33 = arith.constant 96 : i32
    %add3A_34 = arith.addi %mul3A_2, %add3A_33 : i32
    %dma_start3A_35 = arith.constant 0 : i32
    %dma_start3A_36 = tpu.memref_slice %arg2[%add3A_34, %dma_start3A_35] : memref<4096x2048xf32, #tpu.memory_space<hbm>> -> memref<32x2048xf32, #tpu.memory_space<hbm>>
    %dma_start3A_37 = arith.constant 0 : i32
    %dma_start3A_38 = tpu.memref_slice %arg2[%add3A_34, %dma_start3A_37] : memref<4096x2048xf32, #tpu.memory_space<hbm>> -> memref<32x2048xf32, #tpu.memory_space<hbm>>
    tpu.enqueue_dma source(%dma_start3A_38 : memref<32x2048xf32, #tpu.memory_space<hbm>>) target(%arg5 : memref<32x2048xf32, #tpu.memory_space<vmem>>) target_semaphore(%arg7 : memref<!tpu.dma_semaphore, #tpu.memory_space<semaphore_mem>>)
    %add3A_39 = arith.constant 64 : i32
    %add3A_40 = arith.addi %mul3A_2, %add3A_39 : i32
    %dma_wait3A_41 = arith.constant 0 : i32
    %dma_wait3A_42 = tpu.memref_slice %arg2[%add3A_40, %dma_wait3A_41] : memref<4096x2048xf32, #tpu.memory_space<hbm>> -> memref<32x2048xf32, #tpu.memory_space<hbm>>
    %dma_wait3A_43 = arith.constant 0 : i32
    %dma_wait3A_44 = tpu.memref_slice %arg2[%add3A_40, %dma_wait3A_43] : memref<4096x2048xf32, #tpu.memory_space<hbm>> -> memref<32x2048xf32, #tpu.memory_space<hbm>>
    tpu.wait_dma2 semaphore(%arg6 : memref<!tpu.dma_semaphore, #tpu.memory_space<semaphore_mem>>) src(%dma_wait3A_44 : memref<32x2048xf32, #tpu.memory_space<hbm>>) dst(%arg4 : memref<32x2048xf32, #tpu.memory_space<vmem>>)
    %add3A_45 = arith.constant 64 : i32
    %add3A_46 = arith.addi %mul3A_2, %add3A_45 : i32
    "tpu.region"() ({
      %run_scoped3A = tpu.sem_alloc : memref<!tpu.dma_semaphore, #tpu.memory_space<semaphore_mem>>
      %dma_start3A_55 = arith.constant 0 : i32
      %dma_start3A_56 = tpu.memref_slice %arg3[%add3A_46, %dma_start3A_55] : memref<4096x2048xf32, #tpu.memory_space<hbm>> -> memref<32x2048xf32, #tpu.memory_space<hbm>>
      %dma_start3A_57 = arith.constant 0 : i32
      %dma_start3A_58 = tpu.memref_slice %arg3[%add3A_46, %dma_start3A_57] : memref<4096x2048xf32, #tpu.memory_space<hbm>> -> memref<32x2048xf32, #tpu.memory_space<hbm>>
      tpu.enqueue_dma source(%arg4 : memref<32x2048xf32, #tpu.memory_space<vmem>>) target(%dma_start3A_58 : memref<32x2048xf32, #tpu.memory_space<hbm>>) target_semaphore(%run_scoped3A : memref<!tpu.dma_semaphore, #tpu.memory_space<semaphore_mem>>)
      %dma_wait3A_59 = arith.constant 0 : i32
      %dma_wait3A_60 = tpu.memref_slice %arg3[%add3A_46, %dma_wait3A_59] : memref<4096x2048xf32, #tpu.memory_space<hbm>> -> memref<32x2048xf32, #tpu.memory_space<hbm>>
      %dma_wait3A_61 = arith.constant 0 : i32
      %dma_wait3A_62 = tpu.memref_slice %arg3[%add3A_46, %dma_wait3A_61] : memref<4096x2048xf32, #tpu.memory_space<hbm>> -> memref<32x2048xf32, #tpu.memory_space<hbm>>
      tpu.wait_dma2 semaphore(%run_scoped3A : memref<!tpu.dma_semaphore, #tpu.memory_space<semaphore_mem>>) src(%arg4 : memref<32x2048xf32, #tpu.memory_space<vmem>>) dst(%dma_wait3A_62 : memref<32x2048xf32, #tpu.memory_space<hbm>>)
      tpu.yield
    }) : () -> ()
    %add3A_47 = arith.constant 96 : i32
    %add3A_48 = arith.addi %mul3A_2, %add3A_47 : i32
    %dma_wait3A_49 = arith.constant 0 : i32
    %dma_wait3A_50 = tpu.memref_slice %arg2[%add3A_48, %dma_wait3A_49] : memref<4096x2048xf32, #tpu.memory_space<hbm>> -> memref<32x2048xf32, #tpu.memory_space<hbm>>
    %dma_wait3A_51 = arith.constant 0 : i32
    %dma_wait3A_52 = tpu.memref_slice %arg2[%add3A_48, %dma_wait3A_51] : memref<4096x2048xf32, #tpu.memory_space<hbm>> -> memref<32x2048xf32, #tpu.memory_space<hbm>>
    tpu.wait_dma2 semaphore(%arg7 : memref<!tpu.dma_semaphore, #tpu.memory_space<semaphore_mem>>) src(%dma_wait3A_52 : memref<32x2048xf32, #tpu.memory_space<hbm>>) dst(%arg5 : memref<32x2048xf32, #tpu.memory_space<vmem>>)
    %add3A_53 = arith.constant 96 : i32
    %add3A_54 = arith.addi %mul3A_2, %add3A_53 : i32
    "tpu.region"() ({
      %run_scoped3A = tpu.sem_alloc : memref<!tpu.dma_semaphore, #tpu.memory_space<semaphore_mem>>
      %dma_start3A_55 = arith.constant 0 : i32
      %dma_start3A_56 = tpu.memref_slice %arg3[%add3A_54, %dma_start3A_55] : memref<4096x2048xf32, #tpu.memory_space<hbm>> -> memref<32x2048xf32, #tpu.memory_space<hbm>>
      %dma_start3A_57 = arith.constant 0 : i32
      %dma_start3A_58 = tpu.memref_slice %arg3[%add3A_54, %dma_start3A_57] : memref<4096x2048xf32, #tpu.memory_space<hbm>> -> memref<32x2048xf32, #tpu.memory_space<hbm>>
      tpu.enqueue_dma source(%arg5 : memref<32x2048xf32, #tpu.memory_space<vmem>>) target(%dma_start3A_58 : memref<32x2048xf32, #tpu.memory_space<hbm>>) target_semaphore(%run_scoped3A : memref<!tpu.dma_semaphore, #tpu.memory_space<semaphore_mem>>)
      %dma_wait3A_59 = arith.constant 0 : i32
      %dma_wait3A_60 = tpu.memref_slice %arg3[%add3A_54, %dma_wait3A_59] : memref<4096x2048xf32, #tpu.memory_space<hbm>> -> memref<32x2048xf32, #tpu.memory_space<hbm>>
      %dma_wait3A_61 = arith.constant 0 : i32
      %dma_wait3A_62 = tpu.memref_slice %arg3[%add3A_54, %dma_wait3A_61] : memref<4096x2048xf32, #tpu.memory_space<hbm>> -> memref<32x2048xf32, #tpu.memory_space<hbm>>
      tpu.wait_dma2 semaphore(%run_scoped3A : memref<!tpu.dma_semaphore, #tpu.memory_space<semaphore_mem>>) src(%arg5 : memref<32x2048xf32, #tpu.memory_space<vmem>>) dst(%dma_wait3A_62 : memref<32x2048xf32, #tpu.memory_space<hbm>>)
      tpu.yield
    }) : () -> ()
    return
  }
}

module attributes {stable_mosaic.version = 14 : i64} {
  func.func @_reduce_body(%arg0: i32, %arg1: memref<512x2048xf32, #tpu.memory_space<vmem>>, %arg2: memref<1x2048xf32, #tpu.memory_space<vmem>>) attributes {dimension_semantics = [#tpu.dimension_semantics<arbitrary>], iteration_bounds = array<i64: 16>, scalar_prefetch = 0 : i64, scratch_operands = 0 : i64, tpu.core_type = #tpu.core_type<tc>, window_params = [{transform_indices = @transform_0, window_bounds = array<i64: 512, 2048>}, {pipeline_mode = #tpu.pipeline_mode<synchronous>, transform_indices = @transform_1, window_bounds = array<i64: 1, 2048>}]} {
    %eq3A = arith.constant 0 : i32
    %eq3A_0 = arith.cmpi eq, %arg0, %eq3A : i32
    %convert_element_type3A = arith.extui %eq3A_0 : i1 to i32
    %cond3A = arith.constant 0 : i32
    %cond3A_1 = arith.cmpi ne, %convert_element_type3A, %cond3A : i32
    scf.if %cond3A_1 {
      %broadcast_in_dim3A_15 = arith.constant 0.000000e+00 : f32
      %broadcast_in_dim3A_16 = vector.broadcast %broadcast_in_dim3A_15 : f32 to vector<1x2048xf32>
      %swap3A_17 = arith.constant 0 : index
      %swap3A_18 = arith.constant 0 : index
      %swap3A_19 = vector.load %arg2[%swap3A_17, %swap3A_18] : memref<1x2048xf32, #tpu.memory_space<vmem>>, vector<1x2048xf32>
      tpu.vector_store %arg2[%swap3A_17, %swap3A_18], %broadcast_in_dim3A_16 {strides = array<i32>} : memref<1x2048xf32, #tpu.memory_space<vmem>>, vector<1x2048xf32>,
    } else {
    }
    %get3A = arith.constant 0 : index
    %get3A_2 = arith.constant 0 : index
    %get3A_3 = vector.load %arg2[%get3A, %get3A_2] : memref<1x2048xf32, #tpu.memory_space<vmem>>, vector<1x2048xf32>
    %get3A_4 = arith.constant 0 : index
    %get3A_5 = arith.constant 0 : index
    %get3A_6 = vector.load %arg1[%get3A_4, %get3A_5] : memref<512x2048xf32, #tpu.memory_space<vmem>>, vector<512x2048xf32>
    %reduce_sum3A = arith.constant dense<0.000000e+00> : vector<2048xf32>
    %reduce_sum3A_7 = vector.multi_reduction <add>, %get3A_6, %reduce_sum3A [0] : vector<512x2048xf32> to vector<2048xf32>
    %broadcast_in_dim3A = vector.shape_cast %reduce_sum3A_7 : vector<2048xf32> to vector<1x2048xf32>
    %add3A = arith.addf %get3A_3, %broadcast_in_dim3A : vector<1x2048xf32>
    %swap3A = arith.constant 0 : index
    %swap3A_8 = arith.constant 0 : index
    %swap3A_9 = vector.load %arg2[%swap3A, %swap3A_8] : memref<1x2048xf32, #tpu.memory_space<vmem>>, vector<1x2048xf32>
    tpu.vector_store %arg2[%swap3A, %swap3A_8], %add3A {strides = array<i32>} : memref<1x2048xf32, #tpu.memory_space<vmem>>, vector<1x2048xf32>,
    %eq3A_10 = arith.constant 15 : i32
    %eq3A_11 = arith.cmpi eq, %arg0, %eq3A_10 : i32
    %convert_element_type3A_12 = arith.extui %eq3A_11 : i1 to i32
    %cond3A_13 = arith.constant 0 : i32
    %cond3A_14 = arith.cmpi ne, %convert_element_type3A_12, %cond3A_13 : i32
    scf.if %cond3A_14 {
      %get3A_15 = arith.constant 0 : index
      %get3A_16 = arith.constant 0 : index
      %get3A_17 = vector.load %arg2[%get3A_15, %get3A_16] : memref<1x2048xf32, #tpu.memory_space<vmem>>, vector<1x2048xf32>
      %mul3A = arith.constant 1.22070313E-4 : f32
      %mul3A_18 = vector.broadcast %mul3A : f32 to vector<1x2048xf32>
      %mul3A_19 = arith.mulf %get3A_17, %mul3A_18 : vector<1x2048xf32>
      %swap3A_20 = arith.constant 0 : index
      %swap3A_21 = arith.constant 0 : index
      %swap3A_22 = vector.load %arg2[%swap3A_20, %swap3A_21] : memref<1x2048xf32, #tpu.memory_space<vmem>>, vector<1x2048xf32>
      tpu.vector_store %arg2[%swap3A_20, %swap3A_21], %mul3A_19 {strides = array<i32>} : memref<1x2048xf32, #tpu.memory_space<vmem>>, vector<1x2048xf32>,
    } else {
    }
    return
  }
  func.func @transform_0(%arg0: i32) -> (i32, i32) {
    %c0_i32 = arith.constant 0 : i32
    %c0_i32_0 = arith.constant 0 : i32
    return %arg0, %c0_i32 : i32, i32
  }
  func.func @transform_1(%arg0: i32) -> (i32, i32) {
    %c0_i32 = arith.constant 0 : i32
    %c0_i32_0 = arith.constant 0 : i32
    %c0_i32_1 = arith.constant 0 : i32
    return %c0_i32, %c0_i32_0 : i32, i32
  }
}

module attributes {stable_mosaic.version = 14 : i64} {
  func.func @_scatter_body(%arg0: i32, %arg1: memref<1xi32, #tpu.memory_space<smem>>, %arg2: memref<4096x2048xf32, #tpu.memory_space<hbm>>, %arg3: memref<1x2048xf32, #tpu.memory_space<vmem>>, %arg4: memref<4096x2048xf32, #tpu.memory_space<hbm>>, %arg5: memref<!tpu.dma_semaphore, #tpu.memory_space<semaphore_mem>>) attributes {dimension_semantics = [#tpu.dimension_semantics<arbitrary>], iteration_bounds = array<i64: 1>, scalar_prefetch = 1 : i64, scratch_operands = 1 : i64, tpu.core_type = #tpu.core_type<tc>, window_params = [{}, {pipeline_mode = #tpu.pipeline_mode<synchronous>, transform_indices = @transform_1, window_bounds = array<i64: 1, 2048>}, {}]} {
    %get3A = arith.constant 0 : index
    %get3A_0 = memref.load %arg1[%get3A] : memref<1xi32, #tpu.memory_space<smem>>
    %dma_start3A = arith.constant 0 : i32
    %dma_start3A_1 = tpu.memref_slice %arg4[%get3A_0, %dma_start3A] : memref<4096x2048xf32, #tpu.memory_space<hbm>> -> memref<1x2048xf32, #tpu.memory_space<hbm>>
    tpu.enqueue_dma source(%arg3 : memref<1x2048xf32, #tpu.memory_space<vmem>>) target(%dma_start3A_1 : memref<1x2048xf32, #tpu.memory_space<hbm>>) target_semaphore(%arg5 : memref<!tpu.dma_semaphore, #tpu.memory_space<semaphore_mem>>)
    %dma_wait3A = arith.constant 0 : i32
    %dma_wait3A_2 = tpu.memref_slice %arg4[%get3A_0, %dma_wait3A] : memref<4096x2048xf32, #tpu.memory_space<hbm>> -> memref<1x2048xf32, #tpu.memory_space<hbm>>
    tpu.wait_dma2 semaphore(%arg5 : memref<!tpu.dma_semaphore, #tpu.memory_space<semaphore_mem>>) src(%arg3 : memref<1x2048xf32, #tpu.memory_space<vmem>>) dst(%dma_wait3A_2 : memref<1x2048xf32, #tpu.memory_space<hbm>>)
    return
  }
  func.func @transform_1(%arg0: i32, %arg1: memref<1xi32, #tpu.memory_space<smem>>) -> (i32, i32) {
    %c0_i32 = arith.constant 0 : i32
    %c0_i32_0 = arith.constant 0 : i32
    %c0_i32_1 = arith.constant 0 : i32
    return %c0_i32, %c0_i32_0 : i32, i32
  }
}

</mosaic_0001>

<sc_bundles>
// kernel: kernel.5.cloned.1.call-start
scs
__scs_entry_jumppad:
0x0: {  	(pc) =	sbr.rel $0x88, $3  }
0x1: {  	(tag) =	ssettag $0x0;
	lr =	simm.s32 $0x1  }
0x2: {  	[smem:$0x3F9E] =	sst lr;
	_ =	strace $0xD0000000  }
0x3: {  	_ = 	snop  }
0x4: {  	_ = 	snop  }
0x5: {  	_ = 	snop  }
0x6: {  	_ = 	snop  }
0x7: {  	_ = 	snop  }
__scs_overlays_trampoline_lowered:
0x8: {  	[smem:$0x3FAD] =	sst s0  }
0x9: {  	[smem:$0x3FAE] =	sst s1  }
0xa: {  	[smem:$0x3FAF] =	sst s2  }
0xb: {  	[smem:$0x3FB0] =	sst s3  }
0xc: {  	[smem:$0x3FB1] =	sst s4  }
0xd: {  	[smem:$0x3FB2] =	sst s5  }
0xe: {  	[smem:$0x3FB3] =	sst s6  }
0xf: {  	[smem:$0x3FB4] =	sst s7  }
0x10: {  	[smem:$0x3FB5] =	sst s8  }
0x11: {  	[smem:$0x3FB6] =	sst s9;
	s0 =	simm.s32 @!p0 $0x0  }
0x12: {  	s1 =	sld [smem:$0x3F9C];
	s0 =	simm.s32 @p0 $0x1  }
0x13: {  	[smem:$0x3FB7] =	sst s0;
	s0 =	simm.s32 @!p1 $0x0  }
0x14: {  	s2 =	sld [smem:$0x3F9B];
	s0 =	simm.s32 @p1 $0x1  }
0x15: {  	[smem:$0x3FB8] =	sst s0;
	s0 =	simm.s32 @!p2 $0x0  }
0x16: {  	s3 =	sld [smem:$0x3FDB];
	s0 =	simm.s32 @p2 $0x1  }
0x17: {  	s4 =	simm.s32 $0x1BF5;
	[smem:$0x3FBA] =	sst s0  }
0x18: {  	s0 =	sld [smem:$0x3F9D];
	_ =	swait.ge [sflag:s4], $0x0  }
0x19: {  	s7 =	sld [smem:$0x3F9E]  }
0x1a: {  	s8 =	sadd.s32 $0xFFFFE003, lr  }
0x1b: {  	s9 =	sadd.s32 $0xFFFFFEF7, lr;
	s5 =	simm.s32 $0xFFFFFFFF;
	p2 =	slt.u32 s8, $0xFFFFF086  }
0x1c: {  	p1 =	slt.u32 s9, $0xF7A;
	s5 =	simm.s32 @!p2 $0x0  }
0x1d: {  	s5 =	simm.s32 @p1 $0x1;
	p0 =	seq.s32 s7, s2  }
0x1e: {  	s7 =	smul.u32 @!p0 $0xF7A, s2;
	p2 =	seq.s32 @!p0 s5, $0x0  }
0x1f: {  	s9 =	smul.u32 $0xF7A, s1;
	s8 =	simm.s32 @!p0 $0x1BF5;
	p2 =	por !p2, p0  }
0x20: {  	[sflag:s8] =	ssyncset.s32 @!p0 $0xFFFFF086;
	s6 =	sadd.s32 @!p0 s3, s7;
	s7 =	simm.s32 @!p0 $0x108  }
0x21: {  	s3 =	sadd.s32 s3, s9;
	s6 =	sadd.s32 @!p0 $0x88, s6;
	s7 =	simm.s32 @p2 $0x1082  }
0x22: {  	[simem:s7], [sflag:s8] =	dma.local @!p0 [hbm:s6], $0xF7A  }
0x23: {  	s9 =	sor.u32 $0xD0000000, s2;
	s6 =	simm.s32 $0x108;
	_ =	swait.ge @!p0 [sflag:s8], $0x0  }
0x24: {  	s3 =	sadd.s32 $0x88, s3;
	s6 =	simm.s32 @!p1 $0x1082;
	[sflag:s4] =	ssyncset.s32 $0xFFFFF086  }
0x25: {  	[simem:s6], [sflag:s4] =	dma.local [hbm:s3], $0xF7A  }
0x26: {  	[smem:$0x3F9E] =	sst s1;
	(tag) =	ssettag s2;
	_ =	strace s9  }
0x27: {  	s1 =	sld [smem:$0x3FAE]  }
0x28: {  	s2 =	sld [smem:$0x3FAF]  }
0x29: {  	s4 =	sld [smem:$0x3FB1]  }
0x2a: {  	p0 =	seq.s32 s5, $0x0;
	s5 =	sld [smem:$0x3FB2]  }
0x2b: {  	s6 =	sld [smem:$0x3FB3]  }
0x2c: {  	s7 =	sld [smem:$0x3FB4]  }
0x2d: {  	s3 =	simm.s32 $0x108;
	s8 =	sld [smem:$0x3FB5]  }
0x2e: {  	s3 =	simm.s32 @!p0 $0x1082;
	s9 =	sld [smem:$0x3FB6]  }
0x2f: {  	lr =	sadd.s32 s0, s3;
	s0 =	sld [smem:$0x3FAD]  }
0x30: {  	s3 =	sld [smem:$0x3FB0]  }
0x31: {  	[smem:$0x3FB9] =	sst s10  }
0x32: {  	s10 =	sld [smem:$0x3FB7];
	_ =	sdelay $0x3  }
0x33: {  	p0 =	seq.s32 s10, $0x1;
	s10 =	sld [smem:$0x3FB9];
	_ =	sdelay $0x3  }
0x34: {  	[smem:$0x3FB9] =	sst s10  }
0x35: {  	s10 =	sld [smem:$0x3FB8];
	_ =	sdelay $0x3  }
0x36: {  	p1 =	seq.s32 s10, $0x1;
	s10 =	sld [smem:$0x3FB9];
	_ =	sdelay $0x3  }
0x37: {  	[smem:$0x3FB9] =	sst s10  }
0x38: {  	s10 =	sld [smem:$0x3FBA]  }
0x39: {  	_ = 	snop;
	(pc) =	sbr.ind lr, $3  }
0x3a: {  	_ = 	snop  }
0x3b: {  	_ = 	snop  }
0x3c: {  	p2 =	seq.s32 s10, $0x1;
	s10 =	sld [smem:$0x3FB9]  }
0x3d: {  	_ =	shalt  }
0x3e: {  	_ =	shalt  }
0x3f: {  	_ =	shalt  }
0x40: {  	_ =	shalt  }
0x41: {  	_ =	shalt  }
0x42: {  	_ =	shalt  }
0x43: {  	_ =	shalt  }
0x44: {  	_ =	shalt  }
0x45: {  	_ =	shalt  }
0x46: {  	_ =	shalt  }
0x47: {  	_ =	shalt  }
0x48: {  	_ =	shalt  }
0x49: {  	_ =	shalt  }
0x4a: {  	_ =	shalt  }
0x4b: {  	_ =	shalt  }
0x4c: {  	_ =	shalt  }
0x4d: {  	_ =	shalt  }
0x4e: {  	_ =	shalt  }
0x4f: {  	_ =	shalt  }
0x50: {  	_ =	shalt  }
0x51: {  	_ =	shalt  }
0x52: {  	_ =	shalt  }
0x53: {  	_ =	shalt  }
0x54: {  	_ =	shalt  }
0x55: {  	_ =	shalt  }
0x56: {  	_ =	shalt  }
0x57: {  	_ =	shalt  }
0x58: {  	_ =	shalt  }
0x59: {  	_ =	shalt  }
0x5a: {  	_ =	shalt  }
0x5b: {  	_ =	shalt  }
0x5c: {  	_ =	shalt  }
0x5d: {  	_ =	shalt  }
0x5e: {  	_ =	shalt  }
0x5f: {  	_ =	shalt  }
0x60: {  	_ =	shalt  }
0x61: {  	_ =	shalt  }
0x62: {  	_ =	shalt  }
0x63: {  	_ =	shalt  }
0x64: {  	_ =	shalt  }
0x65: {  	_ =	shalt  }
0x66: {  	_ =	shalt  }
0x67: {  	_ =	shalt  }
0x68: {  	_ =	shalt  }
0x69: {  	_ =	shalt  }
0x6a: {  	_ =	shalt  }
0x6b: {  	_ =	shalt  }
0x6c: {  	_ =	shalt  }
0x6d: {  	_ =	shalt  }
0x6e: {  	_ =	shalt  }
0x6f: {  	_ =	shalt  }
0x70: {  	_ =	shalt  }
0x71: {  	_ =	shalt  }
0x72: {  	_ =	shalt  }
0x73: {  	_ =	shalt  }
0x74: {  	_ =	shalt  }
0x75: {  	_ =	shalt  }
0x76: {  	_ =	shalt  }
0x77: {  	_ =	shalt  }
0x78: {  	_ =	shalt  }
0x79: {  	_ =	shalt  }
0x7a: {  	_ =	shalt  }
0x7b: {  	_ =	shalt  }
0x7c: {  	_ =	shalt  }
0x7d: {  	_ =	shalt  }
0x7e: {  	_ =	shalt  }
0x7f: {  	_ =	shalt  }
0x80: {  	_ =	shalt  }
0x81: {  	_ =	shalt  }
0x82: {  	_ =	shalt  }
0x83: {  	_ =	shalt  }
0x84: {  	_ =	shalt  }
0x85: {  	_ =	shalt  }
0x86: {  	_ =	shalt  }
0x87: {  	_ =	shalt  }
.Lfunc_end0:
.L_simem_size_0:
called_computation_lowered:
.L_overlay_start_0:
0x88: {  	s2 =	sld [smem:$0x3FD9]  }
0x89: {  	s3 =	sld [smem:$0x3FFE];
	_ =	sdelay $0x1  }
0x8a: {  	s1 =	srdreg.scid  }
0x8b: {  	s0 =	sand.u32 $0x1, s1  }
0x8c: {  	s18 =	sshll.u32 s0, $0xA;
	s2 =	sadd.s32 s3, s2  }
0x8d: {  	s2 =	sadd.s32 s2, s18  }
0x8e: {  	[smem:$0x3FC5] =	sst s2  }
0x8f: {  	_ = 	snop  }
0x90: {  	s2 =	sld [smem:$0x3FC8]  }
0x91: {  	s19 =	sld [smem:$0x3FD0];
	(tm) =	ssettm $0x1  }
0x92: {  	s4 =	sld [smem:$0x3FFB];
	_ =	sdelay $0x3  }
0x93: {  	_ =	strace s4  }
0x94: {  	s4 =	sld [smem:$0x3FFC];
	_ =	sdelay $0x3  }
0x95: {  	_ =	strace s4  }
0x96: {  	s4 =	sld [smem:$0x3FFD];
	_ =	sdelay $0x3  }
0x97: {  	_ =	strace s4  }
0x98: {  	_ =	strace $0x8FFFFFFF  }
0x99: {  	s20 =	sld [smem:$0x3FDB];
	_ =	sdelay $0x1  }
0x9a: {  	s5 =	simm.s32 $_scs_section_size  }
0x9b: {  	s6 =	simm.s32 $_size__tile_overlayer_lowered;
	s7 =	simm.s32 $_tile_overlayer_lowered  }
0x9c: {  	s23 =	simm.s32 $0x1BFF;
	s22 =	sshll.u32 s7, $0x1;
	s4 =	sadd.s32 s5, s20  }
0x9d: {  	s8 =	simm.s32 $0x0;
	s21 =	sshll.u32 s6, $0x1;
	s6 =	sadd.s32 s22, s4  }
0x9e: {  	[timem:s8], [sflag:s23] =	dma.local [hbm:s6], s21  }
0x9f: {  	_ =	swait.ge [sflag:s23], s21  }
0xa0: {  	s5 =	ssub.s32 $0x0, s21;
	[sflag:s23] =	ssyncset.done $0x0  }
0xa1: {  	[sflag:s23] =	ssyncadd.s32 s5;
	_ =	sdelay $0x1  }
0xa2: {  	s24 =	simm.s32 $0x1B8B  }
0xa3: {  	_ =	swait.ge [sflag:s24], $0x1  }
0xa4: {  	[sflag:s24] =	ssyncset.done $0x0  }
0xa5: {  	s25 =	simm.s32 $0x1B8E;
	[sflag:s24] =	ssyncadd.s32 $0xFFFFFFFF  }
0xa6: {  	s26 =	simm.s32 $execute0_lowered;
	[smem:$0x3FD2] =	sst s25  }
0xa7: {  	s5 =	sshll.u32 s26, $0x1;
	_ =	strace $0x80000046;
	[dreg:$0x1] =	wrdreg $0xFFFFFFFF  }
0xa8: {  	s28 =	simm.s32 $_size_execute0_lowered;
	s4 =	sadd.s32 s4, s5;
	[dreg:$0x0] =	wrdreg $0x0  }
0xa9: {  	s5 =	sshll.u32 s28, $0x1;
	[dreg:$0x2] =	wrdreg s4  }
0xaa: {  	[dreg:$0x3] =	wrdreg s5  }
0xab: {  	[dreg:$0x4] =	wrdreg $0xC0  }
0xac: {  	_ =	task [dreg:s8], $0x5FFFF  }
0xad: {  	[dreg:$0x1] =	wrdreg $0xFFFFFFFF  }
0xae: {  	[dreg:$0x0] =	wrdreg $0x60  }
0xaf: {  	[dreg:$0x2] =	wrdreg s2  }
0xb0: {  	[dreg:$0x3] =	wrdreg s19  }
0xb1: {  	[dreg:$0x4] =	wrdreg $0x9  }
0xb2: {  	_ =	task.clear_ibuf [dreg:s8], $0x5FFFF;
	_ =	strace $0x90000046  }
0xb3: {  	s29 =	simm.s32 $0x9;
	_ =	strace $0x80000048  }
0xb4: {  	_ =	swait.ge [sflag:s29], $0x1  }
0xb5: {  	[sflag:s29] =	ssyncadd.s32 $0xFFFFFFFF  }
0xb6: {  	_ =	strace $0x90000048  }
0xb7: {  	_ =	sfence  }
0xb8: {  	s30 =	sld [smem:$0x0];
	_ =	sdelay $0x2  }
0xb9: {  	s31 =	sshll.u32 s1, $0xD;
	s1 =	sshrl.u32 s1, $0x2  }
0xba: {  	s3 =	sand.u32 $0x4000, s31;
	s1 =	sadd.s32 s1, s30  }
0xbb: {  	s0 =	sor.u32 s3, s0;
	s1 =	sshll.u32 s1, $0x11  }
0xbc: {  	s0 =	sor.u32 s1, s0  }
0xbd: {  	s0 =	sadd.s32 $0x8F2B, s0  }
0xbe: {  	[sflag:s0] =	ssyncadd.remote.s32 $0x1  }
0xbf: {  	_ =	sfence.sel $0xFFFF  }
0xc0: {  	[dreg:$0x0] =	wrdreg $0xFFFFFFFF;
	(pc) =	sbr.abs _section_cstart, $3  }
0xc1: {  	[dreg:$0x1] =	wrdreg $0xFFFFFFFF  }
0xc2: {  	_ =	task.clear_ibuf [dreg:s8], $0x2FFFF;
	_ =	strace $0x9FFFFFFF  }
0xc3: {  	(tm) =	ssettm $0x7FFFFFFF  }
tec
execute0_lowered:
.L_overlay_start_1:
0x0: {  	(tag) =	ssettag $0x1  }
0x1: {  	s12 =	rddreg [dreg:$0x0]  }
0x2: {  	s14 =	rddreg [dreg:$0x1];
	s2 =	srdreg.scid  }
0x3: {  	s0 =	rddreg [dreg:$0x2];
	s1 =	stileid.u32;
	s15 =	sand.u32 $0x1, s2  }
0x4: {  	s2 =	simm.s32 $0x0;
	s3 =	sshll.u32 s1, $0x10;
	s4 =	sshll.u32 s15, $0xF  }
0x5: {  	[smem:$0x7FF] =	sst s2;
	s13 =	sor.u32 s4, s3  }
0x6: {  	_ =	strace $0x80000047;
	s3 =	sadd.s32 s12, s13;
	s11 =	sor.u32 $0x2000, s13  }
0x7: {  	[tilespmem:s2], [sflag:$0x1] =	stream.linear.gather [hbm4b:s3+s2], $0x10000, $0x38;
	v63 =	vld [tilespmem:$0x0]  }
0x8: {  	s5 =	simm.s32 $0x10000;
	s6 =	simm.s32 $0x1;
	s4 =	sadd.s32 s12, s11  }
0x9: {  	[tilespmem:s5], [sflag:$0x2] =	stream.linear.gather [hbm4b:s4+s2], $0x10000, $0x38;
	v63 =	vld [tilespmem:$0x0]  }
0xa: {  	_ =	swait.ge [sflag:s6], $0x10000  }
0xb: {  	[sflag:s6] =	ssyncset.done $0x0  }
0xc: {  	s7 =	simm.s32 $0x3;
	s8 =	sadd.s32 s14, s13;
	[sflag:s6] =	ssyncadd.s32 $0xFFFF0000  }
0xd: {  	[hbm4b:s8+s2] =	stream.linear.scatter [tilespmem:s2], [sflag:$0x3], $0x10000, $0x38;
	v63 =	vld [tilespmem:$0x0]  }
0xe: {  	_ =	swait.ge [sflag:s7], $0x10000  }
0xf: {  	s16 =	sor.u32 $0x4000, s13;
	[sflag:s7] =	ssyncset.done $0x0  }
0x10: {  	s10 =	simm.s32 $0x2;
	s9 =	sadd.s32 s12, s16;
	[sflag:s7] =	ssyncadd.s32 $0xFFFF0000  }
0x11: {  	[tilespmem:s2], [sflag:$0x1] =	stream.linear.gather [hbm4b:s9+s2], $0x10000, $0x38;
	v63 =	vld [tilespmem:$0x0]  }
0x12: {  	_ =	swait.ge [sflag:s10], $0x10000  }
0x13: {  	[sflag:s10] =	ssyncset.done $0x0  }
0x14: {  	s11 =	sadd.s32 s14, s11;
	[sflag:s10] =	ssyncadd.s32 $0xFFFF0000  }
0x15: {  	[hbm4b:s11+s2] =	stream.linear.scatter [tilespmem:s5], [sflag:$0x3], $0x10000, $0x38;
	v63 =	vld [tilespmem:$0x0]  }
0x16: {  	_ =	swait.ge [sflag:s7], $0x10000  }
0x17: {  	s17 =	sor.u32 $0x6000, s13;
	[sflag:s7] =	ssyncset.done $0x0  }
0x18: {  	s12 =	sadd.s32 s12, s17;
	[sflag:s7] =	ssyncadd.s32 $0xFFFF0000  }
0x19: {  	[tilespmem:s5], [sflag:$0x2] =	stream.linear.gather [hbm4b:s12+s2], $0x10000, $0x38;
	v63 =	vld [tilespmem:$0x0]  }
0x1a: {  	_ =	swait.ge [sflag:s6], $0x10000  }
0x1b: {  	[sflag:s6] =	ssyncset.done $0x0  }
0x1c: {  	s15 =	ssub.s32 $0x2, s15;
	s13 =	sadd.s32 s14, s16;
	[sflag:s6] =	ssyncadd.s32 $0xFFFF0000  }
0x1d: {  	[hbm4b:s13+s2] =	stream.linear.scatter [tilespmem:s2], [sflag:$0x3], $0x10000, $0x38;
	v63 =	vld [tilespmem:$0x0]  }
0x1e: {  	s31 =	sshrl.u32 s15, $0x1;
	_ =	swait.ge [sflag:s7], $0x10000  }
0x1f: {  	s15 =	ssub.s32 s15, s31;
	[sflag:s7] =	ssyncset.done $0x0  }
0x20: {  	s15 =	smax.u32 s15, $0x1;
	[sflag:s7] =	ssyncadd.s32 $0xFFFF0000  }
0x21: {  	p0 =	sne.s32 s15, $0x1;
	_ =	swait.ge [sflag:s10], $0x10000  }
.Ltmp0:
0x22: {  	[sflag:s10] =	ssyncset.done $0x0;
	(pc) =	sbr.rel @!p0 .LBB2_2-.Ltmp0, $4  }
0x23: {  	s14 =	sadd.s32 s14, s17;
	[sflag:s10] =	ssyncadd.s32 $0xFFFF0000  }
0x24: {  	[hbm4b:s14+s2] =	stream.linear.scatter [tilespmem:s5], [sflag:$0x3], $0x10000, $0x38;
	v63 =	vld [tilespmem:$0x0]  }
0x25: {  	_ =	swait.ge [sflag:s7], $0x10000  }
0x26: {  	s15 =	sadd.s32 $0xFFFFFFFF, s15;
	[sflag:s7] =	ssyncset.done $0x0  }
.LBB2_1:
0x27: {  	p0 =	sne.s32 s15, $0x1;
	s15 =	sadd.s32 $0xFFFFFFFF, s15;
	[sflag:s7] =	ssyncadd.s32 $0xFFFF0000  }
0x28: {  	[tilespmem:s2], [sflag:$0x1] =	stream.linear.gather [hbm4b:s3+s2], $0x10000, $0x38;
	v63 =	vld [tilespmem:$0x0]  }
0x29: {  	_ = 	snop  }
0x2a: {  	[tilespmem:s5], [sflag:$0x2] =	stream.linear.gather [hbm4b:s4+s2], $0x10000, $0x38;
	v63 =	vld [tilespmem:$0x0]  }
0x2b: {  	_ =	swait.ge [sflag:s6], $0x10000  }
0x2c: {  	[sflag:s6] =	ssyncset.done $0x0  }
0x2d: {  	[sflag:s6] =	ssyncadd.s32 $0xFFFF0000  }
0x2e: {  	[hbm4b:s8+s2] =	stream.linear.scatter [tilespmem:s2], [sflag:$0x3], $0x10000, $0x38;
	v63 =	vld [tilespmem:$0x0]  }
0x2f: {  	_ =	swait.ge [sflag:s7], $0x10000  }
0x30: {  	[sflag:s7] =	ssyncset.done $0x0  }
0x31: {  	[sflag:s7] =	ssyncadd.s32 $0xFFFF0000  }
0x32: {  	[tilespmem:s2], [sflag:$0x1] =	stream.linear.gather [hbm4b:s9+s2], $0x10000, $0x38;
	v63 =	vld [tilespmem:$0x0]  }
0x33: {  	_ =	swait.ge [sflag:s10], $0x10000  }
0x34: {  	[sflag:s10] =	ssyncset.done $0x0  }
0x35: {  	[sflag:s10] =	ssyncadd.s32 $0xFFFF0000  }
0x36: {  	[hbm4b:s11+s2] =	stream.linear.scatter [tilespmem:s5], [sflag:$0x3], $0x10000, $0x38;
	v63 =	vld [tilespmem:$0x0]  }
0x37: {  	_ =	swait.ge [sflag:s7], $0x10000  }
0x38: {  	[sflag:s7] =	ssyncset.done $0x0  }
0x39: {  	[sflag:s7] =	ssyncadd.s32 $0xFFFF0000  }
0x3a: {  	[tilespmem:s5], [sflag:$0x2] =	stream.linear.gather [hbm4b:s12+s2], $0x10000, $0x38;
	v63 =	vld [tilespmem:$0x0]  }
0x3b: {  	_ =	swait.ge [sflag:s6], $0x10000  }
0x3c: {  	[sflag:s6] =	ssyncset.done $0x0  }
0x3d: {  	[sflag:s6] =	ssyncadd.s32 $0xFFFF0000  }
0x3e: {  	[hbm4b:s13+s2] =	stream.linear.scatter [tilespmem:s2], [sflag:$0x3], $0x10000, $0x38;
	v63 =	vld [tilespmem:$0x0]  }
0x3f: {  	_ =	swait.ge [sflag:s7], $0x10000  }
0x40: {  	[sflag:s7] =	ssyncset.done $0x0  }
0x41: {  	[sflag:s7] =	ssyncadd.s32 $0xFFFF0000  }
0x42: {  	_ =	swait.ge [sflag:s10], $0x10000  }
.Ltmp1:
0x43: {  	[sflag:s10] =	ssyncset.done $0x0;
	(pc) =	sbr.rel @p0 .LBB2_1-.Ltmp1, $4  }
0x44: {  	[sflag:s10] =	ssyncadd.s32 $0xFFFF0000  }
0x45: {  	[hbm4b:s14+s2] =	stream.linear.scatter [tilespmem:s5], [sflag:$0x3], $0x10000, $0x38;
	v63 =	vld [tilespmem:$0x0]  }
0x46: {  	_ =	swait.ge [sflag:s7], $0x10000  }
0x47: {  	[sflag:s7] =	ssyncset.done $0x0  }
.LBB2_2:
0x48: {  	[sflag:s7] =	ssyncadd.s32 $0xFFFF0000  }
0x49: {  	_ =	sfence.sel $0x180000  }
0x4a: {  	[bflag:$0x0] =	sbarrier.arrive $0xFFFF  }
0x4b: {  	p0 =	sne.s32 s1, $0x0;
	_ =	strace $0x90000047  }
0x4c: {  	s0 =	sadd.s32 @!p0 $0x100000, s0;
	[bflag:$0x2] =	sbarrier.arrive $0xFFFF  }
0x4d: {  	[sflag:s0] =	ssyncadd.tile.s32 @!p0 $0x1;
	_ =	shalt  }
.Lfunc_end2:
_tile_overlayer_lowered:
.L_overlay_start_2:
0x4e: {  	(tag) =	ssettag $0x2  }
0x4f: {  	s0 =	rddreg [dreg:$0x0];
	s2 =	stileid.u32  }
0x50: {  	s1 =	rddreg [dreg:$0x1];
	p0 =	sne.s32 s2, $0x0  }
0x51: {  	s3 =	rddreg [dreg:$0x2];
	[bflag:$0x3] =	sbarrier.arrive $0xFFFF;
	s2 =	simm.s32 @!p0 $0x1C03  }
0x52: {  	[timem:s3], [sflag:s2] =	dma.local @!p0 [hbm:s0], s1  }
0x53: {  	s0 =	simm.s32 @!p0 $0x3  }
0x54: {  	_ =	swait.ge @!p0 [sflag:s0], s1  }
0x55: {  	s1 =	ssub.s32 @!p0 $0x0, s1;
	[sflag:s0] =	ssyncset.done @!p0 $0x0  }
0x56: {  	[sflag:s0] =	ssyncadd.s32 @!p0 s1  }
0x57: {  	[bflag:$0x3] =	sbarrier.arrive $0xFFFF  }
0x58: {  	_ =	shalt  }

</sc_bundles>
